<compile_context>
chip_gen: v7x
topology: tpu7x:2x2x1
jax: 0.10.2.dev20260603
libtpu: 0.0.44.dev20260713+nightly
codegen_flags: <defaults>
</compile_context>

<pallas_src>
import functools

import jax
import jax.numpy as jnp
from jax import lax
from jax.experimental import pallas as pl
from jax.experimental.pallas import tpu as pltpu
from jax.experimental.pallas import tpu_sc as plsc

NC = 2
NS = 16
NW = NC * NS
CHUNK = 128
L = 16


def _sc_gather_fn(B, title_dim):
    rows_per_w = B // NW
    n_chunks = rows_per_w // CHUNK
    mesh = plsc.VectorSubcoreMesh(core_axis_name="c", subcore_axis_name="s")

    @functools.partial(
        pl.kernel,
        mesh=mesh,
        out_type=(
            jax.ShapeDtypeStruct((B, title_dim), jnp.float32),
            jax.ShapeDtypeStruct((B, 128), jnp.float32),
        ),
        scratch_types=[
            pltpu.VMEM((rows_per_w,), jnp.int32),
            pltpu.VMEM((rows_per_w,), jnp.int32),
            pltpu.VMEM((rows_per_w,), jnp.int32),
            pltpu.VMEM((L,), jnp.float32),
            pltpu.VMEM((CHUNK, title_dim), jnp.float32),
            pltpu.VMEM((CHUNK, title_dim), jnp.float32),
            pltpu.VMEM((CHUNK, 128), jnp.float32),
            pltpu.SemaphoreType.DMA,
            pltpu.SemaphoreType.DMA,
        ],
    )
    def sc_gather(news_hbm, topic_i_hbm, subtopic_i_hbm,
                  title_hbm, abstract_hbm, tsa_hbm, tsb_hbm, aw_hbm,
                  emb_hbm, comb_hbm,
                  idx_n, idx_t, idx_s, aws, tb, ab, cb, sem, sem_t):
        wid = lax.axis_index("s") * NC + lax.axis_index("c")
        base0 = wid * rows_per_w
        pltpu.sync_copy(news_hbm.at[pl.ds(base0, rows_per_w)], idx_n)
        pltpu.sync_copy(topic_i_hbm.at[pl.ds(base0, rows_per_w)], idx_t)
        pltpu.sync_copy(subtopic_i_hbm.at[pl.ds(base0, rows_per_w)], idx_s)
        pltpu.sync_copy(aw_hbm, aws)
        ev = jnp.exp(aws[...])
        e0 = ev[0]
        e1 = ev[1]
        zf = jnp.zeros((L,), jnp.float32)
        rv = (zf + 1.0) / (zf + (e0 + e1))
        a0 = (zf + e0) * rv
        a1 = (zf + e1) * rv

        def chunk_body(c, carry):
            lo = pl.multiple_of(c * CHUNK, CHUNK)
            base = base0 + lo
            g1 = pltpu.async_copy(title_hbm.at[idx_n.at[pl.ds(lo, CHUNK)]],
                                  tb, sem)
            g2 = pltpu.async_copy(abstract_hbm.at[idx_n.at[pl.ds(lo, CHUNK)]],
                                  ab, sem)
            g3 = pltpu.async_copy(tsa_hbm.at[idx_t.at[pl.ds(lo, CHUNK)]],
                                  cb, sem_t)
            g3.wait()
            g4 = pltpu.async_copy(tsb_hbm.at[idx_s.at[pl.ds(lo, CHUNK)]],
                                  cb, sem_t, add=True)
            g1.wait()
            g2.wait()

            def row_body(r, rc):
                for j in range(title_dim // L):
                    sl = pl.ds(j * L, L)
                    tb[r, sl] = a0 * tb[r, sl] + a1 * ab[r, sl]
                return rc

            lax.fori_loop(0, CHUNK, row_body, 0)
            g4.wait()
            s1 = pltpu.async_copy(tb, emb_hbm.at[pl.ds(base, CHUNK)], sem)
            s2 = pltpu.async_copy(cb, comb_hbm.at[pl.ds(base, CHUNK)], sem)
            s1.wait()
            s2.wait()
            return carry

        lax.fori_loop(0, n_chunks, chunk_body, 0)

    return sc_gather


def _tc_body(w_ref, b_ref, emb_ref, comb_ref, out_ref):
    w = w_ref[...]
    dn = (((1,), (1,)), ((), ()))
    acc = lax.dot_general(emb_ref[...], w[:, 0:128], dn,
                          preferred_element_type=jnp.float32)
    acc = acc + lax.dot_general(comb_ref[...], w[:, 128:256], dn,
                                preferred_element_type=jnp.float32)
    out_ref[...] = acc + b_ref[...]


def _tc_matmul(W, b2d, emb, comb):
    B = emb.shape[0]
    RB = 16384
    grid = (B // RB,)
    return pl.pallas_call(
        _tc_body,
        grid=grid,
        in_specs=[
            pl.BlockSpec((256, 256), lambda i: (0, 0)),
            pl.BlockSpec((1, 256), lambda i: (0, 0)),
            pl.BlockSpec((RB, 128), lambda i: (i, 0)),
            pl.BlockSpec((RB, 128), lambda i: (i, 0)),
        ],
        out_specs=pl.BlockSpec((RB, 256), lambda i: (i, 0)),
        out_shape=jax.ShapeDtypeStruct((B, 256), jnp.float32),
    )(W, b2d, emb, comb)


def kernel(news, news_topic, news_subtopic, title_vectors, abstract_vectors,
           topic_embed, subtopic_embed, attention_weight, W, b):
    news = news.astype(jnp.int32)
    news_topic = news_topic.astype(jnp.int32)
    news_subtopic = news_subtopic.astype(jnp.int32)
    B = news.shape[0]
    title_dim = title_vectors.shape[1]
    topic_dim = topic_embed.shape[1]

    tsa = jnp.pad(topic_embed, ((0, 0), (0, 128 - topic_dim)))
    tsb = jnp.pad(subtopic_embed, ((0, 0), (128 - topic_dim, 0)))
    aw16 = jnp.pad(attention_weight.astype(jnp.float32), (0, L - 2))

    sc = _sc_gather_fn(B, title_dim)
    emb, comb = sc(news, news_topic, news_subtopic,
                   title_vectors, abstract_vectors, tsa, tsb, aw16)

    return _tc_matmul(W, b.reshape(1, -1), emb, comb)

# --- scband reference (transcript-rebuilt; emitter-appended) ---
"""Pipeline reference for scband-news-encoder-56642028700169 (READ-ONLY COPY).

The authoritative reference and input builder live on the scoring server;
editing this copy changes nothing except your own understanding.
"""

import jax, jax.numpy as jnp
import numpy as np

B = 16384
NEWS_VOCAB = 100000
TITLE_DIM = 128
TOPIC_SIZE = 1000
SUBTOPIC_SIZE = 1000
TOPIC_DIM = 64
SUBTOPIC_DIM = 64
DIM_NEWS = TITLE_DIM + TOPIC_DIM + SUBTOPIC_DIM


def setup_inputs(seed: int = 0) -> dict:
    key = jax.random.key(seed)
    ks = jax.random.split(key, 10)
    news = jax.random.randint(ks[0], (B,), 0, NEWS_VOCAB, dtype=jnp.int64) if jax.config.read('jax_enable_x64') else jax.random.randint(ks[0], (B,), 0, NEWS_VOCAB)
    news_topic = jax.random.randint(ks[1], (B,), 0, TOPIC_SIZE)
    news_subtopic = jax.random.randint(ks[2], (B,), 0, SUBTOPIC_SIZE)
    title_vectors = jax.random.normal(ks[3], (NEWS_VOCAB, TITLE_DIM), dtype=jnp.float32)
    abstract_vectors = jax.random.normal(ks[4], (NEWS_VOCAB, TITLE_DIM), dtype=jnp.float32)
    # padding_idx=0 rows initialized to zero, matching nn.Embedding(padding_idx=0)
    topic_embed = jax.random.normal(ks[5], (TOPIC_SIZE, TOPIC_DIM), dtype=jnp.float32).at[0].set(0.0)
    subtopic_embed = jax.random.normal(ks[6], (SUBTOPIC_SIZE, SUBTOPIC_DIM), dtype=jnp.float32).at[0].set(0.0)
    attention_weight = jax.random.uniform(ks[7], (2,), dtype=jnp.float32)
    lim = 1.0 / np.sqrt(DIM_NEWS)
    W = jax.random.uniform(ks[8], (DIM_NEWS, DIM_NEWS), dtype=jnp.float32, minval=-lim, maxval=lim)
    b = jax.random.uniform(ks[9], (DIM_NEWS,), dtype=jnp.float32, minval=-lim, maxval=lim)
    return {
        'news': news,
        'news_topic': news_topic,
        'news_subtopic': news_subtopic,
        'title_vectors': title_vectors,
        'abstract_vectors': abstract_vectors,
        'topic_embed': topic_embed,
        'subtopic_embed': subtopic_embed,
        'attention_weight': attention_weight,
        'W': W,
        'b': b,
    }


def reference(news, news_topic, news_subtopic, title_vectors, abstract_vectors,
              topic_embed, subtopic_embed, attention_weight, W, b):
    # TitleEncoder / abstractEncoder: frozen pretrained embedding lookups
    title = jnp.take(title_vectors, news, axis=0)
    abstract = jnp.take(abstract_vectors, news, axis=0)
    # attention over the two views
    alpha = jax.nn.softmax(attention_weight, axis=0)
    news_emb = alpha[0] * title + alpha[1] * abstract
    # TopicEncoder: two embedding lookups + hstack
    t = jnp.take(topic_embed, news_topic, axis=0)
    st = jnp.take(subtopic_embed, news_subtopic, axis=0)
    topic = jnp.concatenate([t, st], axis=1)
    # concat + linear (dropout is defined but never applied in forward)
    article = jnp.concatenate([news_emb, topic], axis=1)
    article = article @ W.T + b
    return article

if __name__ == "__main__":
    import jax
    _d = setup_inputs()
    print(jax.jit(kernel)(*tuple(_d.values())))

</pallas_src>

<mosaic_0001>
#map = affine_map<(d0, d1) -> (0)>
#map1 = affine_map<(d0, d1) -> (0, 0)>
module attributes {stable_mosaic.version = 14 : i64} {
  func.func @sc_gather(%arg0: i32, %arg1: i32, %arg2: memref<16384xi32, #tpu.memory_space<hbm>>, %arg3: memref<16384xi32, #tpu.memory_space<hbm>>, %arg4: memref<16384xi32, #tpu.memory_space<hbm>>, %arg5: memref<100000x128xf32, #tpu.memory_space<hbm>>, %arg6: memref<100000x128xf32, #tpu.memory_space<hbm>>, %arg7: memref<1000x128xf32, #tpu.memory_space<hbm>>, %arg8: memref<1000x128xf32, #tpu.memory_space<hbm>>, %arg9: memref<16xf32, #tpu.memory_space<hbm>>, %arg10: memref<16384x128xf32, #tpu.memory_space<hbm>>, %arg11: memref<16384x128xf32, #tpu.memory_space<hbm>>, %arg12: memref<512xi32, #tpu.memory_space<vmem>>, %arg13: memref<512xi32, #tpu.memory_space<vmem>>, %arg14: memref<512xi32, #tpu.memory_space<vmem>>, %arg15: memref<16xf32, #tpu.memory_space<vmem>>, %arg16: memref<128x128xf32, #tpu.memory_space<vmem>>, %arg17: memref<128x128xf32, #tpu.memory_space<vmem>>, %arg18: memref<128x128xf32, #tpu.memory_space<vmem>>, %arg19: memref<!tpu.dma_semaphore, #tpu.memory_space<semaphore_mem>>, %arg20: memref<!tpu.dma_semaphore, #tpu.memory_space<semaphore_mem>>) attributes {dimension_semantics = [#tpu.dimension_semantics<core_parallel>, #tpu.dimension_semantics<subcore_parallel>], iteration_bounds = array<i64: 2, 16>, scalar_prefetch = 0 : i64, scratch_operands = 9 : i64, tpu.core_type = #tpu.core_type<sc_vector_subcore>, window_params = [{transform_indices = #map}, {transform_indices = #map}, {transform_indices = #map}, {transform_indices = #map1}, {transform_indices = #map1}, {transform_indices = #map1}, {transform_indices = #map1}, {transform_indices = #map}, {transform_indices = #map1}, {transform_indices = #map1}]} {
    %mul3A = arith.constant 2 : i32
    %mul3A_0 = arith.muli %arg1, %mul3A : i32
    %add3A = arith.addi %mul3A_0, %arg0 : i32
    %mul3A_1 = arith.constant 512 : i32
    %mul3A_2 = arith.muli %add3A, %mul3A_1 : i32
    "tpu.region"() ({
      %run_scoped3A = tpu.sem_alloc : memref<!tpu.dma_semaphore, #tpu.memory_space<semaphore_mem>>
      %dma_start3A = tpu.memref_slice %arg2[%mul3A_2] : memref<16384xi32, #tpu.memory_space<hbm>> -> memref<512xi32, #tpu.memory_space<hbm>>
      %dma_start3A_25 = tpu.memref_slice %arg2[%mul3A_2] : memref<16384xi32, #tpu.memory_space<hbm>> -> memref<512xi32, #tpu.memory_space<hbm>>
      tpu.enqueue_dma source(%dma_start3A_25 : memref<512xi32, #tpu.memory_space<hbm>>) target(%arg12 : memref<512xi32, #tpu.memory_space<vmem>>) target_semaphore(%run_scoped3A : memref<!tpu.dma_semaphore, #tpu.memory_space<semaphore_mem>>)
      %dma_wait3A = tpu.memref_slice %arg2[%mul3A_2] : memref<16384xi32, #tpu.memory_space<hbm>> -> memref<512xi32, #tpu.memory_space<hbm>>
      %dma_wait3A_26 = tpu.memref_slice %arg2[%mul3A_2] : memref<16384xi32, #tpu.memory_space<hbm>> -> memref<512xi32, #tpu.memory_space<hbm>>
      tpu.wait_dma2 semaphore(%run_scoped3A : memref<!tpu.dma_semaphore, #tpu.memory_space<semaphore_mem>>) src(%dma_wait3A_26 : memref<512xi32, #tpu.memory_space<hbm>>) dst(%arg12 : memref<512xi32, #tpu.memory_space<vmem>>)
      tpu.yield
    }) : () -> ()
    "tpu.region"() ({
      %run_scoped3A = tpu.sem_alloc : memref<!tpu.dma_semaphore, #tpu.memory_space<semaphore_mem>>
      %dma_start3A = tpu.memref_slice %arg3[%mul3A_2] : memref<16384xi32, #tpu.memory_space<hbm>> -> memref<512xi32, #tpu.memory_space<hbm>>
      %dma_start3A_25 = tpu.memref_slice %arg3[%mul3A_2] : memref<16384xi32, #tpu.memory_space<hbm>> -> memref<512xi32, #tpu.memory_space<hbm>>
      tpu.enqueue_dma source(%dma_start3A_25 : memref<512xi32, #tpu.memory_space<hbm>>) target(%arg13 : memref<512xi32, #tpu.memory_space<vmem>>) target_semaphore(%run_scoped3A : memref<!tpu.dma_semaphore, #tpu.memory_space<semaphore_mem>>)
      %dma_wait3A = tpu.memref_slice %arg3[%mul3A_2] : memref<16384xi32, #tpu.memory_space<hbm>> -> memref<512xi32, #tpu.memory_space<hbm>>
      %dma_wait3A_26 = tpu.memref_slice %arg3[%mul3A_2] : memref<16384xi32, #tpu.memory_space<hbm>> -> memref<512xi32, #tpu.memory_space<hbm>>
      tpu.wait_dma2 semaphore(%run_scoped3A : memref<!tpu.dma_semaphore, #tpu.memory_space<semaphore_mem>>) src(%dma_wait3A_26 : memref<512xi32, #tpu.memory_space<hbm>>) dst(%arg13 : memref<512xi32, #tpu.memory_space<vmem>>)
      tpu.yield
    }) : () -> ()
    "tpu.region"() ({
      %run_scoped3A = tpu.sem_alloc : memref<!tpu.dma_semaphore, #tpu.memory_space<semaphore_mem>>
      %dma_start3A = tpu.memref_slice %arg4[%mul3A_2] : memref<16384xi32, #tpu.memory_space<hbm>> -> memref<512xi32, #tpu.memory_space<hbm>>
      %dma_start3A_25 = tpu.memref_slice %arg4[%mul3A_2] : memref<16384xi32, #tpu.memory_space<hbm>> -> memref<512xi32, #tpu.memory_space<hbm>>
      tpu.enqueue_dma source(%dma_start3A_25 : memref<512xi32, #tpu.memory_space<hbm>>) target(%arg14 : memref<512xi32, #tpu.memory_space<vmem>>) target_semaphore(%run_scoped3A : memref<!tpu.dma_semaphore, #tpu.memory_space<semaphore_mem>>)
      %dma_wait3A = tpu.memref_slice %arg4[%mul3A_2] : memref<16384xi32, #tpu.memory_space<hbm>> -> memref<512xi32, #tpu.memory_space<hbm>>
      %dma_wait3A_26 = tpu.memref_slice %arg4[%mul3A_2] : memref<16384xi32, #tpu.memory_space<hbm>> -> memref<512xi32, #tpu.memory_space<hbm>>
      tpu.wait_dma2 semaphore(%run_scoped3A : memref<!tpu.dma_semaphore, #tpu.memory_space<semaphore_mem>>) src(%dma_wait3A_26 : memref<512xi32, #tpu.memory_space<hbm>>) dst(%arg14 : memref<512xi32, #tpu.memory_space<vmem>>)
      tpu.yield
    }) : () -> ()
    "tpu.region"() ({
      %run_scoped3A = tpu.sem_alloc : memref<!tpu.dma_semaphore, #tpu.memory_space<semaphore_mem>>
      tpu.enqueue_dma source(%arg9 : memref<16xf32, #tpu.memory_space<hbm>>) target(%arg15 : memref<16xf32, #tpu.memory_space<vmem>>) target_semaphore(%run_scoped3A : memref<!tpu.dma_semaphore, #tpu.memory_space<semaphore_mem>>)
      tpu.wait_dma2 semaphore(%run_scoped3A : memref<!tpu.dma_semaphore, #tpu.memory_space<semaphore_mem>>) src(%arg9 : memref<16xf32, #tpu.memory_space<hbm>>) dst(%arg15 : memref<16xf32, #tpu.memory_space<vmem>>)
      tpu.yield
    }) : () -> ()
    %get3A = arith.constant 0 : index
    %get3A_3 = tpu.vector_load %arg15[%get3A] {strides = array<i32>} : memref<16xf32, #tpu.memory_space<vmem>>, vector<16xf32>,
    %get3A_4 = vector.shape_cast %get3A_3 : vector<16xf32> to vector<16xf32>
    %exp3A = math.exp %get3A_4 : vector<16xf32>
    %slice3A = vector.extract_strided_slice %exp3A {offsets = [0], sizes = [1], strides = [1]} : vector<16xf32> to vector<1xf32>
    %squeeze3A = vector.extract %slice3A[0] : f32 from vector<1xf32>
    %slice3A_5 = vector.extract_strided_slice %exp3A {offsets = [1], sizes = [1], strides = [1]} : vector<16xf32> to vector<1xf32>
    %squeeze3A_6 = vector.extract %slice3A_5[0] : f32 from vector<1xf32>
    %broadcast_in_dim3A = arith.constant 0.000000e+00 : f32
    %broadcast_in_dim3A_7 = vector.broadcast %broadcast_in_dim3A : f32 to vector<16xf32>
    %add3A_8 = arith.constant 1.000000e+00 : f32
    %add3A_9 = vector.broadcast %add3A_8 : f32 to vector<16xf32>
    %add3A_10 = arith.addf %broadcast_in_dim3A_7, %add3A_9 : vector<16xf32>
    %add3A_11 = arith.addf %squeeze3A, %squeeze3A_6 : f32
    %add3A_12 = vector.broadcast %add3A_11 : f32 to vector<16xf32>
    %add3A_13 = arith.addf %broadcast_in_dim3A_7, %add3A_12 : vector<16xf32>
    %div3A = arith.divf %add3A_10, %add3A_13 : vector<16xf32>
    %add3A_14 = vector.broadcast %squeeze3A : f32 to vector<16xf32>
    %add3A_15 = arith.addf %broadcast_in_dim3A_7, %add3A_14 : vector<16xf32>
    %mul3A_16 = arith.mulf %add3A_15, %div3A : vector<16xf32>
    %add3A_17 = vector.broadcast %squeeze3A_6 : f32 to vector<16xf32>
    %add3A_18 = arith.addf %broadcast_in_dim3A_7, %add3A_17 : vector<16xf32>
    %mul3A_19 = arith.mulf %add3A_18, %div3A : vector<16xf32>
    %scan3A = arith.constant 0 : i32
    %scan3A_20 = arith.constant 0 : i32
    %scan3A_21 = arith.constant 4 : i32
    %scan3A_22 = arith.addi %scan3A_20, %scan3A_21 : i32
    %scan3A_23 = arith.constant 1 : i32
    scf.for %scan3A_25 = %scan3A_20 to %scan3A_22 step %scan3A_23  : i32 {
      %mul3A_26 = arith.constant 128 : i32
      %mul3A_27 = arith.muli %scan3A_25, %mul3A_26 : i32
      %multiple_of3A = tpu.assume_multiple %mul3A_27, 128 : i32
      %add3A_28 = arith.addi %mul3A_2, %multiple_of3A : i32
      %dma_start3A = tpu.memref_slice %arg12[%multiple_of3A] : memref<512xi32, #tpu.memory_space<vmem>> -> memref<128xi32, #tpu.memory_space<vmem>>
      %dma_start3A_29 = arith.constant 0 : i32
      %dma_start3A_30 = arith.constant 0 : i32
      %dma_start3A_31 = tpu.memref_slice %arg5[%dma_start3A_29, %dma_start3A_30] : memref<100000x128xf32, #tpu.memory_space<hbm>> -> memref<100000x128xf32, #tpu.memory_space<hbm>>
      tpu.enqueue_indirect_dma source(%dma_start3A_31 : memref<100000x128xf32, #tpu.memory_space<hbm>>) target(%arg16 : memref<128x128xf32, #tpu.memory_space<vmem>>) offsets(%dma_start3A : memref<128xi32, #tpu.memory_space<vmem>>) semaphore(%arg19 : memref<!tpu.dma_semaphore, #tpu.memory_space<semaphore_mem>>)
      %dma_start3A_32 = tpu.memref_slice %arg12[%multiple_of3A] : memref<512xi32, #tpu.memory_space<vmem>> -> memref<128xi32, #tpu.memory_space<vmem>>
      %dma_start3A_33 = arith.constant 0 : i32
      %dma_start3A_34 = arith.constant 0 : i32
      %dma_start3A_35 = tpu.memref_slice %arg6[%dma_start3A_33, %dma_start3A_34] : memref<100000x128xf32, #tpu.memory_space<hbm>> -> memref<100000x128xf32, #tpu.memory_space<hbm>>
      tpu.enqueue_indirect_dma source(%dma_start3A_35 : memref<100000x128xf32, #tpu.memory_space<hbm>>) target(%arg17 : memref<128x128xf32, #tpu.memory_space<vmem>>) offsets(%dma_start3A_32 : memref<128xi32, #tpu.memory_space<vmem>>) semaphore(%arg19 : memref<!tpu.dma_semaphore, #tpu.memory_space<semaphore_mem>>)
      %dma_start3A_36 = tpu.memref_slice %arg13[%multiple_of3A] : memref<512xi32, #tpu.memory_space<vmem>> -> memref<128xi32, #tpu.memory_space<vmem>>
      %dma_start3A_37 = arith.constant 0 : i32
      %dma_start3A_38 = arith.constant 0 : i32
      %dma_start3A_39 = tpu.memref_slice %arg7[%dma_start3A_37, %dma_start3A_38] : memref<1000x128xf32, #tpu.memory_space<hbm>> -> memref<1000x128xf32, #tpu.memory_space<hbm>>
      tpu.enqueue_indirect_dma source(%dma_start3A_39 : memref<1000x128xf32, #tpu.memory_space<hbm>>) target(%arg18 : memref<128x128xf32, #tpu.memory_space<vmem>>) offsets(%dma_start3A_36 : memref<128xi32, #tpu.memory_space<vmem>>) semaphore(%arg20 : memref<!tpu.dma_semaphore, #tpu.memory_space<semaphore_mem>>)
      %dma_wait3A = tpu.memref_slice %arg13[%multiple_of3A] : memref<512xi32, #tpu.memory_space<vmem>> -> memref<128xi32, #tpu.memory_space<vmem>>
      %dma_wait3A_40 = arith.constant 0 : i32
      %dma_wait3A_41 = arith.constant 0 : i32
      %dma_wait3A_42 = tpu.memref_slice %arg7[%dma_wait3A_40, %dma_wait3A_41] : memref<1000x128xf32, #tpu.memory_space<hbm>> -> memref<1000x128xf32, #tpu.memory_space<hbm>>
      tpu.wait_indirect_dma semaphore(%arg20 : memref<!tpu.dma_semaphore, #tpu.memory_space<semaphore_mem>>) src(%dma_wait3A_42 : memref<1000x128xf32, #tpu.memory_space<hbm>>) dst(%arg18 : memref<128x128xf32, #tpu.memory_space<vmem>>)
      %dma_start3A_43 = tpu.memref_slice %arg14[%multiple_of3A] : memref<512xi32, #tpu.memory_space<vmem>> -> memref<128xi32, #tpu.memory_space<vmem>>
      %dma_start3A_44 = arith.constant 0 : i32
      %dma_start3A_45 = arith.constant 0 : i32
      %dma_start3A_46 = tpu.memref_slice %arg8[%dma_start3A_44, %dma_start3A_45] : memref<1000x128xf32, #tpu.memory_space<hbm>> -> memref<1000x128xf32, #tpu.memory_space<hbm>>
      tpu.enqueue_indirect_dma source(%dma_start3A_46 : memref<1000x128xf32, #tpu.memory_space<hbm>>) target(%arg18 : memref<128x128xf32, #tpu.memory_space<vmem>>) offsets(%dma_start3A_43 : memref<128xi32, #tpu.memory_space<vmem>>) semaphore(%arg20 : memref<!tpu.dma_semaphore, #tpu.memory_space<semaphore_mem>>) {add = true}
      %dma_wait3A_47 = tpu.memref_slice %arg12[%multiple_of3A] : memref<512xi32, #tpu.memory_space<vmem>> -> memref<128xi32, #tpu.memory_space<vmem>>
      %dma_wait3A_48 = arith.constant 0 : i32
      %dma_wait3A_49 = arith.constant 0 : i32
      %dma_wait3A_50 = tpu.memref_slice %arg5[%dma_wait3A_48, %dma_wait3A_49] : memref<100000x128xf32, #tpu.memory_space<hbm>> -> memref<100000x128xf32, #tpu.memory_space<hbm>>
      tpu.wait_indirect_dma semaphore(%arg19 : memref<!tpu.dma_semaphore, #tpu.memory_space<semaphore_mem>>) src(%dma_wait3A_50 : memref<100000x128xf32, #tpu.memory_space<hbm>>) dst(%arg16 : memref<128x128xf32, #tpu.memory_space<vmem>>)
      %dma_wait3A_51 = tpu.memref_slice %arg12[%multiple_of3A] : memref<512xi32, #tpu.memory_space<vmem>> -> memref<128xi32, #tpu.memory_space<vmem>>
      %dma_wait3A_52 = arith.constant 0 : i32
      %dma_wait3A_53 = arith.constant 0 : i32
      %dma_wait3A_54 = tpu.memref_slice %arg6[%dma_wait3A_52, %dma_wait3A_53] : memref<100000x128xf32, #tpu.memory_space<hbm>> -> memref<100000x128xf32, #tpu.memory_space<hbm>>
      tpu.wait_indirect_dma semaphore(%arg19 : memref<!tpu.dma_semaphore, #tpu.memory_space<semaphore_mem>>) src(%dma_wait3A_54 : memref<100000x128xf32, #tpu.memory_space<hbm>>) dst(%arg17 : memref<128x128xf32, #tpu.memory_space<vmem>>)
      %scan3A_55 = arith.constant 0 : i32
      %scan3A_56 = arith.constant 0 : i32
      %scan3A_57 = arith.constant 128 : i32
      %scan3A_58 = arith.addi %scan3A_56, %scan3A_57 : i32
      %scan3A_59 = arith.constant 1 : i32
      scf.for %scan3A_81 = %scan3A_56 to %scan3A_58 step %scan3A_59  : i32 {
        %get3A_82 = arith.index_cast %scan3A_81 : i32 to index
        %get3A_83 = arith.constant 0 : index
        %get3A_84 = tpu.vector_load %arg16[%get3A_82, %get3A_83] {strides = array<i32>} : memref<128x128xf32, #tpu.memory_space<vmem>>, vector<1x16xf32>,
        %get3A_85 = vector.shape_cast %get3A_84 : vector<1x16xf32> to vector<16xf32>
        %mul3A_86 = arith.mulf %mul3A_16, %get3A_85 : vector<16xf32>
        %get3A_87 = arith.index_cast %scan3A_81 : i32 to index
        %get3A_88 = arith.constant 0 : index
        %get3A_89 = tpu.vector_load %arg17[%get3A_87, %get3A_88] {strides = array<i32>} : memref<128x128xf32, #tpu.memory_space<vmem>>, vector<1x16xf32>,
        %get3A_90 = vector.shape_cast %get3A_89 : vector<1x16xf32> to vector<16xf32>
        %mul3A_91 = arith.mulf %mul3A_19, %get3A_90 : vector<16xf32>
        %add3A_92 = arith.addf %mul3A_86, %mul3A_91 : vector<16xf32>
        %swap3A = arith.index_cast %scan3A_81 : i32 to index
        %swap3A_93 = arith.constant 0 : index
        %swap3A_94 = tpu.vector_load %arg16[%swap3A, %swap3A_93] {strides = array<i32>} : memref<128x128xf32, #tpu.memory_space<vmem>>, vector<1x16xf32>,
        %swap3A_95 = vector.shape_cast %swap3A_94 : vector<1x16xf32> to vector<16xf32>
        %swap3A_96 = vector.shape_cast %add3A_92 : vector<16xf32> to vector<1x16xf32>
        tpu.vector_store %arg16[%swap3A, %swap3A_93], %swap3A_96 {strides = array<i32>} : memref<128x128xf32, #tpu.memory_space<vmem>>, vector<1x16xf32>,
        %get3A_97 = arith.index_cast %scan3A_81 : i32 to index
        %get3A_98 = arith.constant 16 : index
        %get3A_99 = tpu.vector_load %arg16[%get3A_97, %get3A_98] {strides = array<i32>} : memref<128x128xf32, #tpu.memory_space<vmem>>, vector<1x16xf32>,
        %get3A_100 = vector.shape_cast %get3A_99 : vector<1x16xf32> to vector<16xf32>
        %mul3A_101 = arith.mulf %mul3A_16, %get3A_100 : vector<16xf32>
        %get3A_102 = arith.index_cast %scan3A_81 : i32 to index
        %get3A_103 = arith.constant 16 : index
        %get3A_104 = tpu.vector_load %arg17[%get3A_102, %get3A_103] {strides = array<i32>} : memref<128x128xf32, #tpu.memory_space<vmem>>, vector<1x16xf32>,
        %get3A_105 = vector.shape_cast %get3A_104 : vector<1x16xf32> to vector<16xf32>
        %mul3A_106 = arith.mulf %mul3A_19, %get3A_105 : vector<16xf32>
        %add3A_107 = arith.addf %mul3A_101, %mul3A_106 : vector<16xf32>
        %swap3A_108 = arith.index_cast %scan3A_81 : i32 to index
        %swap3A_109 = arith.constant 16 : index
        %swap3A_110 = tpu.vector_load %arg16[%swap3A_108, %swap3A_109] {strides = array<i32>} : memref<128x128xf32, #tpu.memory_space<vmem>>, vector<1x16xf32>,
        %swap3A_111 = vector.shape_cast %swap3A_110 : vector<1x16xf32> to vector<16xf32>
        %swap3A_112 = vector.shape_cast %add3A_107 : vector<16xf32> to vector<1x16xf32>
        tpu.vector_store %arg16[%swap3A_108, %swap3A_109], %swap3A_112 {strides = array<i32>} : memref<128x128xf32, #tpu.memory_space<vmem>>, vector<1x16xf32>,
        %get3A_113 = arith.index_cast %scan3A_81 : i32 to index
        %get3A_114 = arith.constant 32 : index
        %get3A_115 = tpu.vector_load %arg16[%get3A_113, %get3A_114] {strides = array<i32>} : memref<128x128xf32, #tpu.memory_space<vmem>>, vector<1x16xf32>,
        %get3A_116 = vector.shape_cast %get3A_115 : vector<1x16xf32> to vector<16xf32>
        %mul3A_117 = arith.mulf %mul3A_16, %get3A_116 : vector<16xf32>
        %get3A_118 = arith.index_cast %scan3A_81 : i32 to index
        %get3A_119 = arith.constant 32 : index
        %get3A_120 = tpu.vector_load %arg17[%get3A_118, %get3A_119] {strides = array<i32>} : memref<128x128xf32, #tpu.memory_space<vmem>>, vector<1x16xf32>,
        %get3A_121 = vector.shape_cast %get3A_120 : vector<1x16xf32> to vector<16xf32>
        %mul3A_122 = arith.mulf %mul3A_19, %get3A_121 : vector<16xf32>
        %add3A_123 = arith.addf %mul3A_117, %mul3A_122 : vector<16xf32>
        %swap3A_124 = arith.index_cast %scan3A_81 : i32 to index
        %swap3A_125 = arith.constant 32 : index
        %swap3A_126 = tpu.vector_load %arg16[%swap3A_124, %swap3A_125] {strides = array<i32>} : memref<128x128xf32, #tpu.memory_space<vmem>>, vector<1x16xf32>,
        %swap3A_127 = vector.shape_cast %swap3A_126 : vector<1x16xf32> to vector<16xf32>
        %swap3A_128 = vector.shape_cast %add3A_123 : vector<16xf32> to vector<1x16xf32>
        tpu.vector_store %arg16[%swap3A_124, %swap3A_125], %swap3A_128 {strides = array<i32>} : memref<128x128xf32, #tpu.memory_space<vmem>>, vector<1x16xf32>,
        %get3A_129 = arith.index_cast %scan3A_81 : i32 to index
        %get3A_130 = arith.constant 48 : index
        %get3A_131 = tpu.vector_load %arg16[%get3A_129, %get3A_130] {strides = array<i32>} : memref<128x128xf32, #tpu.memory_space<vmem>>, vector<1x16xf32>,
        %get3A_132 = vector.shape_cast %get3A_131 : vector<1x16xf32> to vector<16xf32>
        %mul3A_133 = arith.mulf %mul3A_16, %get3A_132 : vector<16xf32>
        %get3A_134 = arith.index_cast %scan3A_81 : i32 to index
        %get3A_135 = arith.constant 48 : index
        %get3A_136 = tpu.vector_load %arg17[%get3A_134, %get3A_135] {strides = array<i32>} : memref<128x128xf32, #tpu.memory_space<vmem>>, vector<1x16xf32>,
        %get3A_137 = vector.shape_cast %get3A_136 : vector<1x16xf32> to vector<16xf32>
        %mul3A_138 = arith.mulf %mul3A_19, %get3A_137 : vector<16xf32>
        %add3A_139 = arith.addf %mul3A_133, %mul3A_138 : vector<16xf32>
        %swap3A_140 = arith.index_cast %scan3A_81 : i32 to index
        %swap3A_141 = arith.constant 48 : index
        %swap3A_142 = tpu.vector_load %arg16[%swap3A_140, %swap3A_141] {strides = array<i32>} : memref<128x128xf32, #tpu.memory_space<vmem>>, vector<1x16xf32>,
        %swap3A_143 = vector.shape_cast %swap3A_142 : vector<1x16xf32> to vector<16xf32>
        %swap3A_144 = vector.shape_cast %add3A_139 : vector<16xf32> to vector<1x16xf32>
        tpu.vector_store %arg16[%swap3A_140, %swap3A_141], %swap3A_144 {strides = array<i32>} : memref<128x128xf32, #tpu.memory_space<vmem>>, vector<1x16xf32>,
        %get3A_145 = arith.index_cast %scan3A_81 : i32 to index
        %get3A_146 = arith.constant 64 : index
        %get3A_147 = tpu.vector_load %arg16[%get3A_145, %get3A_146] {strides = array<i32>} : memref<128x128xf32, #tpu.memory_space<vmem>>, vector<1x16xf32>,
        %get3A_148 = vector.shape_cast %get3A_147 : vector<1x16xf32> to vector<16xf32>
        %mul3A_149 = arith.mulf %mul3A_16, %get3A_148 : vector<16xf32>
        %get3A_150 = arith.index_cast %scan3A_81 : i32 to index
        %get3A_151 = arith.constant 64 : index
        %get3A_152 = tpu.vector_load %arg17[%get3A_150, %get3A_151] {strides = array<i32>} : memref<128x128xf32, #tpu.memory_space<vmem>>, vector<1x16xf32>,
        %get3A_153 = vector.shape_cast %get3A_152 : vector<1x16xf32> to vector<16xf32>
        %mul3A_154 = arith.mulf %mul3A_19, %get3A_153 : vector<16xf32>
        %add3A_155 = arith.addf %mul3A_149, %mul3A_154 : vector<16xf32>
        %swap3A_156 = arith.index_cast %scan3A_81 : i32 to index
        %swap3A_157 = arith.constant 64 : index
        %swap3A_158 = tpu.vector_load %arg16[%swap3A_156, %swap3A_157] {strides = array<i32>} : memref<128x128xf32, #tpu.memory_space<vmem>>, vector<1x16xf32>,
        %swap3A_159 = vector.shape_cast %swap3A_158 : vector<1x16xf32> to vector<16xf32>
        %swap3A_160 = vector.shape_cast %add3A_155 : vector<16xf32> to vector<1x16xf32>
        tpu.vector_store %arg16[%swap3A_156, %swap3A_157], %swap3A_160 {strides = array<i32>} : memref<128x128xf32, #tpu.memory_space<vmem>>, vector<1x16xf32>,
        %get3A_161 = arith.index_cast %scan3A_81 : i32 to index
        %get3A_162 = arith.constant 80 : index
        %get3A_163 = tpu.vector_load %arg16[%get3A_161, %get3A_162] {strides = array<i32>} : memref<128x128xf32, #tpu.memory_space<vmem>>, vector<1x16xf32>,
        %get3A_164 = vector.shape_cast %get3A_163 : vector<1x16xf32> to vector<16xf32>
        %mul3A_165 = arith.mulf %mul3A_16, %get3A_164 : vector<16xf32>
        %get3A_166 = arith.index_cast %scan3A_81 : i32 to index
        %get3A_167 = arith.constant 80 : index
        %get3A_168 = tpu.vector_load %arg17[%get3A_166, %get3A_167] {strides = array<i32>} : memref<128x128xf32, #tpu.memory_space<vmem>>, vector<1x16xf32>,
        %get3A_169 = vector.shape_cast %get3A_168 : vector<1x16xf32> to vector<16xf32>
        %mul3A_170 = arith.mulf %mul3A_19, %get3A_169 : vector<16xf32>
        %add3A_171 = arith.addf %mul3A_165, %mul3A_170 : vector<16xf32>
        %swap3A_172 = arith.index_cast %scan3A_81 : i32 to index
        %swap3A_173 = arith.constant 80 : index
        %swap3A_174 = tpu.vector_load %arg16[%swap3A_172, %swap3A_173] {strides = array<i32>} : memref<128x128xf32, #tpu.memory_space<vmem>>, vector<1x16xf32>,
        %swap3A_175 = vector.shape_cast %swap3A_174 : vector<1x16xf32> to vector<16xf32>
        %swap3A_176 = vector.shape_cast %add3A_171 : vector<16xf32> to vector<1x16xf32>
        tpu.vector_store %arg16[%swap3A_172, %swap3A_173], %swap3A_176 {strides = array<i32>} : memref<128x128xf32, #tpu.memory_space<vmem>>, vector<1x16xf32>,
        %get3A_177 = arith.index_cast %scan3A_81 : i32 to index
        %get3A_178 = arith.constant 96 : index
        %get3A_179 = tpu.vector_load %arg16[%get3A_177, %get3A_178] {strides = array<i32>} : memref<128x128xf32, #tpu.memory_space<vmem>>, vector<1x16xf32>,
        %get3A_180 = vector.shape_cast %get3A_179 : vector<1x16xf32> to vector<16xf32>
        %mul3A_181 = arith.mulf %mul3A_16, %get3A_180 : vector<16xf32>
        %get3A_182 = arith.index_cast %scan3A_81 : i32 to index
        %get3A_183 = arith.constant 96 : index
        %get3A_184 = tpu.vector_load %arg17[%get3A_182, %get3A_183] {strides = array<i32>} : memref<128x128xf32, #tpu.memory_space<vmem>>, vector<1x16xf32>,
        %get3A_185 = vector.shape_cast %get3A_184 : vector<1x16xf32> to vector<16xf32>
        %mul3A_186 = arith.mulf %mul3A_19, %get3A_185 : vector<16xf32>
        %add3A_187 = arith.addf %mul3A_181, %mul3A_186 : vector<16xf32>
        %swap3A_188 = arith.index_cast %scan3A_81 : i32 to index
        %swap3A_189 = arith.constant 96 : index
        %swap3A_190 = tpu.vector_load %arg16[%swap3A_188, %swap3A_189] {strides = array<i32>} : memref<128x128xf32, #tpu.memory_space<vmem>>, vector<1x16xf32>,
        %swap3A_191 = vector.shape_cast %swap3A_190 : vector<1x16xf32> to vector<16xf32>
        %swap3A_192 = vector.shape_cast %add3A_187 : vector<16xf32> to vector<1x16xf32>
        tpu.vector_store %arg16[%swap3A_188, %swap3A_189], %swap3A_192 {strides = array<i32>} : memref<128x128xf32, #tpu.memory_space<vmem>>, vector<1x16xf32>,
        %get3A_193 = arith.index_cast %scan3A_81 : i32 to index
        %get3A_194 = arith.constant 112 : index
        %get3A_195 = tpu.vector_load %arg16[%get3A_193, %get3A_194] {strides = array<i32>} : memref<128x128xf32, #tpu.memory_space<vmem>>, vector<1x16xf32>,
        %get3A_196 = vector.shape_cast %get3A_195 : vector<1x16xf32> to vector<16xf32>
        %mul3A_197 = arith.mulf %mul3A_16, %get3A_196 : vector<16xf32>
        %get3A_198 = arith.index_cast %scan3A_81 : i32 to index
        %get3A_199 = arith.constant 112 : index
        %get3A_200 = tpu.vector_load %arg17[%get3A_198, %get3A_199] {strides = array<i32>} : memref<128x128xf32, #tpu.memory_space<vmem>>, vector<1x16xf32>,
        %get3A_201 = vector.shape_cast %get3A_200 : vector<1x16xf32> to vector<16xf32>
        %mul3A_202 = arith.mulf %mul3A_19, %get3A_201 : vector<16xf32>
        %add3A_203 = arith.addf %mul3A_197, %mul3A_202 : vector<16xf32>
        %swap3A_204 = arith.index_cast %scan3A_81 : i32 to index
        %swap3A_205 = arith.constant 112 : index
        %swap3A_206 = tpu.vector_load %arg16[%swap3A_204, %swap3A_205] {strides = array<i32>} : memref<128x128xf32, #tpu.memory_space<vmem>>, vector<1x16xf32>,
        %swap3A_207 = vector.shape_cast %swap3A_206 : vector<1x16xf32> to vector<16xf32>
        %swap3A_208 = vector.shape_cast %add3A_203 : vector<16xf32> to vector<1x16xf32>
        tpu.vector_store %arg16[%swap3A_204, %swap3A_205], %swap3A_208 {strides = array<i32>} : memref<128x128xf32, #tpu.memory_space<vmem>>, vector<1x16xf32>,
      }
      %scan3A_60 = arith.constant 128 : i32
      %dma_wait3A_61 = tpu.memref_slice %arg14[%multiple_of3A] : memref<512xi32, #tpu.memory_space<vmem>> -> memref<128xi32, #tpu.memory_space<vmem>>
      %dma_wait3A_62 = arith.constant 0 : i32
      %dma_wait3A_63 = arith.constant 0 : i32
      %dma_wait3A_64 = tpu.memref_slice %arg8[%dma_wait3A_62, %dma_wait3A_63] : memref<1000x128xf32, #tpu.memory_space<hbm>> -> memref<1000x128xf32, #tpu.memory_space<hbm>>
      tpu.wait_indirect_dma semaphore(%arg20 : memref<!tpu.dma_semaphore, #tpu.memory_space<semaphore_mem>>) src(%dma_wait3A_64 : memref<1000x128xf32, #tpu.memory_space<hbm>>) dst(%arg18 : memref<128x128xf32, #tpu.memory_space<vmem>>)
      %dma_start3A_65 = arith.constant 0 : i32
      %dma_start3A_66 = tpu.memref_slice %arg10[%add3A_28, %dma_start3A_65] : memref<16384x128xf32, #tpu.memory_space<hbm>> -> memref<128x128xf32, #tpu.memory_space<hbm>>
      %dma_start3A_67 = arith.constant 0 : i32
      %dma_start3A_68 = tpu.memref_slice %arg10[%add3A_28, %dma_start3A_67] : memref<16384x128xf32, #tpu.memory_space<hbm>> -> memref<128x128xf32, #tpu.memory_space<hbm>>
      tpu.enqueue_dma source(%arg16 : memref<128x128xf32, #tpu.memory_space<vmem>>) target(%dma_start3A_68 : memref<128x128xf32, #tpu.memory_space<hbm>>) target_semaphore(%arg19 : memref<!tpu.dma_semaphore, #tpu.memory_space<semaphore_mem>>)
      %dma_start3A_69 = arith.constant 0 : i32
      %dma_start3A_70 = tpu.memref_slice %arg11[%add3A_28, %dma_start3A_69] : memref<16384x128xf32, #tpu.memory_space<hbm>> -> memref<128x128xf32, #tpu.memory_space<hbm>>
      %dma_start3A_71 = arith.constant 0 : i32
      %dma_start3A_72 = tpu.memref_slice %arg11[%add3A_28, %dma_start3A_71] : memref<16384x128xf32, #tpu.memory_space<hbm>> -> memref<128x128xf32, #tpu.memory_space<hbm>>
      tpu.enqueue_dma source(%arg18 : memref<128x128xf32, #tpu.memory_space<vmem>>) target(%dma_start3A_72 : memref<128x128xf32, #tpu.memory_space<hbm>>) target_semaphore(%arg19 : memref<!tpu.dma_semaphore, #tpu.memory_space<semaphore_mem>>)
      %dma_wait3A_73 = arith.constant 0 : i32
      %dma_wait3A_74 = tpu.memref_slice %arg10[%add3A_28, %dma_wait3A_73] : memref<16384x128xf32, #tpu.memory_space<hbm>> -> memref<128x128xf32, #tpu.memory_space<hbm>>
      %dma_wait3A_75 = arith.constant 0 : i32
      %dma_wait3A_76 = tpu.memref_slice %arg10[%add3A_28, %dma_wait3A_75] : memref<16384x128xf32, #tpu.memory_space<hbm>> -> memref<128x128xf32, #tpu.memory_space<hbm>>
      tpu.wait_dma2 semaphore(%arg19 : memref<!tpu.dma_semaphore, #tpu.memory_space<semaphore_mem>>) src(%arg16 : memref<128x128xf32, #tpu.memory_space<vmem>>) dst(%dma_wait3A_76 : memref<128x128xf32, #tpu.memory_space<hbm>>)
      %dma_wait3A_77 = arith.constant 0 : i32
      %dma_wait3A_78 = tpu.memref_slice %arg11[%add3A_28, %dma_wait3A_77] : memref<16384x128xf32, #tpu.memory_space<hbm>> -> memref<128x128xf32, #tpu.memory_space<hbm>>
      %dma_wait3A_79 = arith.constant 0 : i32
      %dma_wait3A_80 = tpu.memref_slice %arg11[%add3A_28, %dma_wait3A_79] : memref<16384x128xf32, #tpu.memory_space<hbm>> -> memref<128x128xf32, #tpu.memory_space<hbm>>
      tpu.wait_dma2 semaphore(%arg19 : memref<!tpu.dma_semaphore, #tpu.memory_space<semaphore_mem>>) src(%arg18 : memref<128x128xf32, #tpu.memory_space<vmem>>) dst(%dma_wait3A_80 : memref<128x128xf32, #tpu.memory_space<hbm>>)
    }
    %scan3A_24 = arith.constant 4 : i32
    return
  }
}

module attributes {stable_mosaic.version = 14 : i64} {
  func.func @_tc_body(%arg0: i32, %arg1: memref<256x256xf32, #tpu.memory_space<vmem>>, %arg2: memref<1x256xf32, #tpu.memory_space<vmem>>, %arg3: memref<16384x128xf32, #tpu.memory_space<vmem>>, %arg4: memref<16384x128xf32, #tpu.memory_space<vmem>>, %arg5: memref<16384x256xf32, #tpu.memory_space<vmem>>) attributes {dimension_semantics = [#tpu.dimension_semantics<arbitrary>], iteration_bounds = array<i64: 1>, scalar_prefetch = 0 : i64, scratch_operands = 0 : i64, tpu.core_type = #tpu.core_type<tc>, window_params = [{pipeline_mode = #tpu.pipeline_mode<synchronous>, transform_indices = @transform_0, window_bounds = array<i64: 256, 256>}, {pipeline_mode = #tpu.pipeline_mode<synchronous>, transform_indices = @transform_1, window_bounds = array<i64: 1, 256>}, {transform_indices = @transform_2, window_bounds = array<i64: 16384, 128>}, {transform_indices = @transform_3, window_bounds = array<i64: 16384, 128>}, {transform_indices = @transform_4, window_bounds = array<i64: 16384, 256>}]} {
    %get3A = arith.constant 0 : index
    %get3A_0 = arith.constant 0 : index
    %get3A_1 = vector.load %arg1[%get3A, %get3A_0] : memref<256x256xf32, #tpu.memory_space<vmem>>, vector<256x256xf32>
    %get3A_2 = arith.constant 0 : index
    %get3A_3 = arith.constant 0 : index
    %get3A_4 = vector.load %arg3[%get3A_2, %get3A_3] : memref<16384x128xf32, #tpu.memory_space<vmem>>, vector<16384x128xf32>
    %slice3A = vector.extract_strided_slice %get3A_1 {offsets = [0, 0], sizes = [256, 128], strides = [1, 1]} : vector<256x256xf32> to vector<256x128xf32>
    %dot_general3A = arith.constant dense<0.000000e+00> : vector<16384x256xf32>
    %dot_general3A_5 = tpu.matmul %get3A_4, %slice3A, %dot_general3A {dimension_numbers = #tpu.dot_dimension_numbers<[1], [1], [0], [0], [0, 0, 1, 0], [], []>, transpose_lhs_hint = false} : vector<16384x128xf32>, vector<256x128xf32>, vector<16384x256xf32> -> vector<16384x256xf32>
    %get3A_6 = arith.constant 0 : index
    %get3A_7 = arith.constant 0 : index
    %get3A_8 = vector.load %arg4[%get3A_6, %get3A_7] : memref<16384x128xf32, #tpu.memory_space<vmem>>, vector<16384x128xf32>
    %slice3A_9 = vector.extract_strided_slice %get3A_1 {offsets = [0, 128], sizes = [256, 128], strides = [1, 1]} : vector<256x256xf32> to vector<256x128xf32>
    %dot_general3A_10 = arith.constant dense<0.000000e+00> : vector<16384x256xf32>
    %dot_general3A_11 = tpu.matmul %get3A_8, %slice3A_9, %dot_general3A_10 {dimension_numbers = #tpu.dot_dimension_numbers<[1], [1], [0], [0], [0, 0, 1, 0], [], []>, transpose_lhs_hint = false} : vector<16384x128xf32>, vector<256x128xf32>, vector<16384x256xf32> -> vector<16384x256xf32>
    %add3A = arith.addf %dot_general3A_5, %dot_general3A_11 : vector<16384x256xf32>
    %get3A_12 = arith.constant 0 : index
    %get3A_13 = arith.constant 0 : index
    %get3A_14 = vector.load %arg2[%get3A_12, %get3A_13] : memref<1x256xf32, #tpu.memory_space<vmem>>, vector<1x256xf32>
    %add3A_15 = vector.broadcast %get3A_14 : vector<1x256xf32> to vector<16384x256xf32>
    %add3A_16 = arith.addf %add3A, %add3A_15 : vector<16384x256xf32>
    %swap3A = arith.constant 0 : index
    %swap3A_17 = arith.constant 0 : index
    %swap3A_18 = vector.load %arg5[%swap3A, %swap3A_17] : memref<16384x256xf32, #tpu.memory_space<vmem>>, vector<16384x256xf32>
    tpu.vector_store %arg5[%swap3A, %swap3A_17], %add3A_16 {strides = array<i32>} : memref<16384x256xf32, #tpu.memory_space<vmem>>, vector<16384x256xf32>,
    return
  }
  func.func @transform_0(%arg0: i32) -> (i32, i32) {
    %c0_i32 = arith.constant 0 : i32
    %c0_i32_0 = arith.constant 0 : i32
    %c0_i32_1 = arith.constant 0 : i32
    return %c0_i32, %c0_i32_0 : i32, i32
  }
  func.func @transform_1(%arg0: i32) -> (i32, i32) {
    %c0_i32 = arith.constant 0 : i32
    %c0_i32_0 = arith.constant 0 : i32
    %c0_i32_1 = arith.constant 0 : i32
    return %c0_i32, %c0_i32_0 : i32, i32
  }
  func.func @transform_2(%arg0: i32) -> (i32, i32) {
    %c0_i32 = arith.constant 0 : i32
    %c0_i32_0 = arith.constant 0 : i32
    return %arg0, %c0_i32 : i32, i32
  }
  func.func @transform_3(%arg0: i32) -> (i32, i32) {
    %c0_i32 = arith.constant 0 : i32
    %c0_i32_0 = arith.constant 0 : i32
    return %arg0, %c0_i32 : i32, i32
  }
  func.func @transform_4(%arg0: i32) -> (i32, i32) {
    %c0_i32 = arith.constant 0 : i32
    %c0_i32_0 = arith.constant 0 : i32
    return %arg0, %c0_i32 : i32, i32
  }
}

</mosaic_0001>

<sc_bundles>
// kernel: kernel.4.cloned.1.call-start
scs
__scs_entry_jumppad:
0x0: {  	(pc) =	sbr.rel $0x88, $3  }
0x1: {  	(tag) =	ssettag $0x0;
	lr =	simm.s32 $0x1  }
0x2: {  	[smem:$0x3F97] =	sst lr;
	_ =	strace $0xD0000000  }
0x3: {  	_ = 	snop  }
0x4: {  	_ = 	snop  }
0x5: {  	_ = 	snop  }
0x6: {  	_ = 	snop  }
0x7: {  	_ = 	snop  }
__scs_overlays_trampoline_lowered:
0x8: {  	[smem:$0x3FA6] =	sst s0  }
0x9: {  	[smem:$0x3FA7] =	sst s1  }
0xa: {  	[smem:$0x3FA8] =	sst s2  }
0xb: {  	[smem:$0x3FA9] =	sst s3  }
0xc: {  	[smem:$0x3FAA] =	sst s4  }
0xd: {  	[smem:$0x3FAB] =	sst s5  }
0xe: {  	[smem:$0x3FAC] =	sst s6  }
0xf: {  	[smem:$0x3FAD] =	sst s7  }
0x10: {  	[smem:$0x3FAE] =	sst s8  }
0x11: {  	[smem:$0x3FAF] =	sst s9;
	s0 =	simm.s32 @!p0 $0x0  }
0x12: {  	s1 =	sld [smem:$0x3F95];
	s0 =	simm.s32 @p0 $0x1  }
0x13: {  	[smem:$0x3FB0] =	sst s0;
	s0 =	simm.s32 @!p1 $0x0  }
0x14: {  	s2 =	sld [smem:$0x3F94];
	s0 =	simm.s32 @p1 $0x1  }
0x15: {  	[smem:$0x3FB1] =	sst s0;
	s0 =	simm.s32 @!p2 $0x0  }
0x16: {  	s3 =	sld [smem:$0x3FDB];
	s0 =	simm.s32 @p2 $0x1  }
0x17: {  	s4 =	simm.s32 $0x1BF5;
	[smem:$0x3FB3] =	sst s0  }
0x18: {  	s0 =	sld [smem:$0x3F96];
	_ =	swait.ge [sflag:s4], $0x0  }
0x19: {  	s7 =	sld [smem:$0x3F97]  }
0x1a: {  	s8 =	sadd.s32 $0xFFFFE003, lr  }
0x1b: {  	s9 =	sadd.s32 $0xFFFFFEF7, lr;
	s5 =	simm.s32 $0xFFFFFFFF;
	p2 =	slt.u32 s8, $0xFFFFF086  }
0x1c: {  	p1 =	slt.u32 s9, $0xF7A;
	s5 =	simm.s32 @!p2 $0x0  }
0x1d: {  	s5 =	simm.s32 @p1 $0x1;
	p0 =	seq.s32 s7, s2  }
0x1e: {  	s7 =	smul.u32 @!p0 $0xF7A, s2;
	p2 =	seq.s32 @!p0 s5, $0x0  }
0x1f: {  	s9 =	smul.u32 $0xF7A, s1;
	s8 =	simm.s32 @!p0 $0x1BF5;
	p2 =	por !p2, p0  }
0x20: {  	[sflag:s8] =	ssyncset.s32 @!p0 $0xFFFFF086;
	s6 =	sadd.s32 @!p0 s3, s7;
	s7 =	simm.s32 @!p0 $0x108  }
0x21: {  	s3 =	sadd.s32 s3, s9;
	s6 =	sadd.s32 @!p0 $0x88, s6;
	s7 =	simm.s32 @p2 $0x1082  }
0x22: {  	[simem:s7], [sflag:s8] =	dma.local @!p0 [hbm:s6], $0xF7A  }
0x23: {  	s9 =	sor.u32 $0xD0000000, s2;
	s6 =	simm.s32 $0x108;
	_ =	swait.ge @!p0 [sflag:s8], $0x0  }
0x24: {  	s3 =	sadd.s32 $0x88, s3;
	s6 =	simm.s32 @!p1 $0x1082;
	[sflag:s4] =	ssyncset.s32 $0xFFFFF086  }
0x25: {  	[simem:s6], [sflag:s4] =	dma.local [hbm:s3], $0xF7A  }
0x26: {  	[smem:$0x3F97] =	sst s1;
	(tag) =	ssettag s2;
	_ =	strace s9  }
0x27: {  	s1 =	sld [smem:$0x3FA7]  }
0x28: {  	s2 =	sld [smem:$0x3FA8]  }
0x29: {  	s4 =	sld [smem:$0x3FAA]  }
0x2a: {  	p0 =	seq.s32 s5, $0x0;
	s5 =	sld [smem:$0x3FAB]  }
0x2b: {  	s6 =	sld [smem:$0x3FAC]  }
0x2c: {  	s7 =	sld [smem:$0x3FAD]  }
0x2d: {  	s3 =	simm.s32 $0x108;
	s8 =	sld [smem:$0x3FAE]  }
0x2e: {  	s3 =	simm.s32 @!p0 $0x1082;
	s9 =	sld [smem:$0x3FAF]  }
0x2f: {  	lr =	sadd.s32 s0, s3;
	s0 =	sld [smem:$0x3FA6]  }
0x30: {  	s3 =	sld [smem:$0x3FA9]  }
0x31: {  	[smem:$0x3FB2] =	sst s10  }
0x32: {  	s10 =	sld [smem:$0x3FB0];
	_ =	sdelay $0x3  }
0x33: {  	p0 =	seq.s32 s10, $0x1;
	s10 =	sld [smem:$0x3FB2];
	_ =	sdelay $0x3  }
0x34: {  	[smem:$0x3FB2] =	sst s10  }
0x35: {  	s10 =	sld [smem:$0x3FB1];
	_ =	sdelay $0x3  }
0x36: {  	p1 =	seq.s32 s10, $0x1;
	s10 =	sld [smem:$0x3FB2];
	_ =	sdelay $0x3  }
0x37: {  	[smem:$0x3FB2] =	sst s10  }
0x38: {  	s10 =	sld [smem:$0x3FB3]  }
0x39: {  	_ = 	snop;
	(pc) =	sbr.ind lr, $3  }
0x3a: {  	_ = 	snop  }
0x3b: {  	_ = 	snop  }
0x3c: {  	p2 =	seq.s32 s10, $0x1;
	s10 =	sld [smem:$0x3FB2]  }
0x3d: {  	_ =	shalt  }
0x3e: {  	_ =	shalt  }
0x3f: {  	_ =	shalt  }
0x40: {  	_ =	shalt  }
0x41: {  	_ =	shalt  }
0x42: {  	_ =	shalt  }
0x43: {  	_ =	shalt  }
0x44: {  	_ =	shalt  }
0x45: {  	_ =	shalt  }
0x46: {  	_ =	shalt  }
0x47: {  	_ =	shalt  }
0x48: {  	_ =	shalt  }
0x49: {  	_ =	shalt  }
0x4a: {  	_ =	shalt  }
0x4b: {  	_ =	shalt  }
0x4c: {  	_ =	shalt  }
0x4d: {  	_ =	shalt  }
0x4e: {  	_ =	shalt  }
0x4f: {  	_ =	shalt  }
0x50: {  	_ =	shalt  }
0x51: {  	_ =	shalt  }
0x52: {  	_ =	shalt  }
0x53: {  	_ =	shalt  }
0x54: {  	_ =	shalt  }
0x55: {  	_ =	shalt  }
0x56: {  	_ =	shalt  }
0x57: {  	_ =	shalt  }
0x58: {  	_ =	shalt  }
0x59: {  	_ =	shalt  }
0x5a: {  	_ =	shalt  }
0x5b: {  	_ =	shalt  }
0x5c: {  	_ =	shalt  }
0x5d: {  	_ =	shalt  }
0x5e: {  	_ =	shalt  }
0x5f: {  	_ =	shalt  }
0x60: {  	_ =	shalt  }
0x61: {  	_ =	shalt  }
0x62: {  	_ =	shalt  }
0x63: {  	_ =	shalt  }
0x64: {  	_ =	shalt  }
0x65: {  	_ =	shalt  }
0x66: {  	_ =	shalt  }
0x67: {  	_ =	shalt  }
0x68: {  	_ =	shalt  }
0x69: {  	_ =	shalt  }
0x6a: {  	_ =	shalt  }
0x6b: {  	_ =	shalt  }
0x6c: {  	_ =	shalt  }
0x6d: {  	_ =	shalt  }
0x6e: {  	_ =	shalt  }
0x6f: {  	_ =	shalt  }
0x70: {  	_ =	shalt  }
0x71: {  	_ =	shalt  }
0x72: {  	_ =	shalt  }
0x73: {  	_ =	shalt  }
0x74: {  	_ =	shalt  }
0x75: {  	_ =	shalt  }
0x76: {  	_ =	shalt  }
0x77: {  	_ =	shalt  }
0x78: {  	_ =	shalt  }
0x79: {  	_ =	shalt  }
0x7a: {  	_ =	shalt  }
0x7b: {  	_ =	shalt  }
0x7c: {  	_ =	shalt  }
0x7d: {  	_ =	shalt  }
0x7e: {  	_ =	shalt  }
0x7f: {  	_ =	shalt  }
0x80: {  	_ =	shalt  }
0x81: {  	_ =	shalt  }
0x82: {  	_ =	shalt  }
0x83: {  	_ =	shalt  }
0x84: {  	_ =	shalt  }
0x85: {  	_ =	shalt  }
0x86: {  	_ =	shalt  }
0x87: {  	_ =	shalt  }
.Lfunc_end0:
.L_simem_size_0:
called_computation_lowered:
.L_overlay_start_0:
0x88: {  	s2 =	sld [smem:$0x3FD9]  }
0x89: {  	s3 =	sld [smem:$0x3FFE];
	_ =	sdelay $0x1  }
0x8a: {  	s1 =	srdreg.scid  }
0x8b: {  	s0 =	sand.u32 $0x1, s1  }
0x8c: {  	s17 =	sshll.u32 s0, $0xA;
	s2 =	sadd.s32 s3, s2  }
0x8d: {  	s2 =	sadd.s32 s2, s17  }
0x8e: {  	[smem:$0x3FBE] =	sst s2  }
0x8f: {  	_ = 	snop  }
0x90: {  	s2 =	sld [smem:$0x3FC9]  }
0x91: {  	s18 =	sld [smem:$0x3FC8]  }
0x92: {  	s4 =	sld [smem:$0x3FC7]  }
0x93: {  	s5 =	sld [smem:$0x3FC6]  }
0x94: {  	s6 =	sld [smem:$0x3FC5]  }
0x95: {  	s7 =	sld [smem:$0x3FD0];
	(tm) =	ssettm $0x1  }
0x96: {  	s8 =	sld [smem:$0x3FFB];
	_ =	sdelay $0x3  }
0x97: {  	_ =	strace s8  }
0x98: {  	s8 =	sld [smem:$0x3FFC];
	_ =	sdelay $0x3  }
0x99: {  	_ =	strace s8  }
0x9a: {  	s8 =	sld [smem:$0x3FFD];
	_ =	sdelay $0x3  }
0x9b: {  	_ =	strace s8  }
0x9c: {  	_ =	strace $0x8FFFFFFF  }
0x9d: {  	s19 =	sld [smem:$0x3FDB];
	_ =	sdelay $0x1  }
0x9e: {  	s9 =	simm.s32 $_scs_section_size  }
0x9f: {  	s10 =	simm.s32 $_size__tile_overlayer_lowered;
	s11 =	simm.s32 $_tile_overlayer_lowered  }
0xa0: {  	s22 =	simm.s32 $0x1BFF;
	s21 =	sshll.u32 s11, $0x1;
	s8 =	sadd.s32 s9, s19  }
0xa1: {  	s12 =	simm.s32 $0x0;
	s20 =	sshll.u32 s10, $0x1;
	s10 =	sadd.s32 s21, s8  }
0xa2: {  	[timem:s12], [sflag:s22] =	dma.local [hbm:s10], s20  }
0xa3: {  	_ =	swait.ge [sflag:s22], s20  }
0xa4: {  	s9 =	ssub.s32 $0x0, s20;
	[sflag:s22] =	ssyncset.done $0x0  }
0xa5: {  	[sflag:s22] =	ssyncadd.s32 s9;
	_ =	sdelay $0x1  }
0xa6: {  	s23 =	simm.s32 $0x1B8B  }
0xa7: {  	_ =	swait.ge [sflag:s23], $0x1  }
0xa8: {  	[sflag:s23] =	ssyncset.done $0x0  }
0xa9: {  	s25 =	simm.s32 $0x1B8E;
	s24 =	sld [smem:$0x3FFE];
	[sflag:s23] =	ssyncadd.s32 $0xFFFFFFFF  }
0xaa: {  	s26 =	simm.s32 $execute0_lowered;
	[smem:$0x3FD2] =	sst s25  }
0xab: {  	s10 =	sshll.u32 s26, $0x1;
	_ =	strace $0x80000046;
	[dreg:$0x1] =	wrdreg $0xFFFFFFFF  }
0xac: {  	s28 =	simm.s32 $_size_execute0_lowered;
	s8 =	sadd.s32 s8, s10;
	[dreg:$0x0] =	wrdreg $0x0  }
0xad: {  	s10 =	sshll.u32 s28, $0x1;
	[dreg:$0x2] =	wrdreg s8  }
0xae: {  	[dreg:$0x3] =	wrdreg s10  }
0xaf: {  	[dreg:$0x4] =	wrdreg $0xC0  }
0xb0: {  	_ =	task [dreg:s12], $0x5FFFF  }
0xb1: {  	[dreg:$0x1] =	wrdreg $0xFFFFFFFF  }
0xb2: {  	[dreg:$0x0] =	wrdreg $0x60  }
0xb3: {  	[dreg:$0x2] =	wrdreg s2  }
0xb4: {  	[dreg:$0x3] =	wrdreg s18  }
0xb5: {  	[dreg:$0x4] =	wrdreg s4  }
0xb6: {  	[dreg:$0x5] =	wrdreg s5  }
0xb7: {  	[dreg:$0x6] =	wrdreg s6  }
0xb8: {  	[dreg:$0x7] =	wrdreg s24  }
0xb9: {  	[dreg:$0x8] =	wrdreg s7  }
0xba: {  	[dreg:$0x9] =	wrdreg $0x9  }
0xbb: {  	_ =	task.clear_ibuf [dreg:s12], $0xAFFFF;
	_ =	strace $0x90000046  }
0xbc: {  	s29 =	simm.s32 $0x9;
	_ =	strace $0x80000048  }
0xbd: {  	_ =	swait.ge [sflag:s29], $0x1  }
0xbe: {  	[sflag:s29] =	ssyncadd.s32 $0xFFFFFFFF  }
0xbf: {  	_ =	strace $0x90000048  }
0xc0: {  	_ =	sfence  }
0xc1: {  	s30 =	sld [smem:$0x0];
	_ =	sdelay $0x2  }
0xc2: {  	s31 =	sshll.u32 s1, $0xD;
	s1 =	sshrl.u32 s1, $0x2  }
0xc3: {  	s3 =	sand.u32 $0x4000, s31;
	s1 =	sadd.s32 s1, s30  }
0xc4: {  	s0 =	sor.u32 s3, s0;
	s1 =	sshll.u32 s1, $0x11  }
0xc5: {  	s0 =	sor.u32 s1, s0  }
0xc6: {  	s0 =	sadd.s32 $0x8F2B, s0  }
0xc7: {  	[sflag:s0] =	ssyncadd.remote.s32 $0x1  }
0xc8: {  	_ =	sfence.sel $0xFFFF  }
0xc9: {  	[dreg:$0x0] =	wrdreg $0xFFFFFFFF;
	(pc) =	sbr.abs _section_cstart, $3  }
0xca: {  	[dreg:$0x1] =	wrdreg $0xFFFFFFFF  }
0xcb: {  	_ =	task.clear_ibuf [dreg:s12], $0x2FFFF;
	_ =	strace $0x9FFFFFFF  }
0xcc: {  	(tm) =	ssettm $0x7FFFFFFF  }
0xcd: {  	_ =	shalt  }
tec
execute0_lowered:
.L_overlay_start_1:
0x0: {  	(tag) =	ssettag $0x1  }
0x1: {  	s10 =	rddreg [dreg:$0x0]  }
0x2: {  	s11 =	rddreg [dreg:$0x1]  }
0x3: {  	s12 =	rddreg [dreg:$0x2]  }
0x4: {  	s1 =	rddreg [dreg:$0x3]  }
0x5: {  	s2 =	rddreg [dreg:$0x4]  }
0x6: {  	s9 =	rddreg [dreg:$0x5]  }
0x7: {  	s3 =	rddreg [dreg:$0x6]  }
0x8: {  	s0 =	rddreg [dreg:$0x7]  }
0x9: {  	s5 =	simm.s32 $0x0;
	s6 =	srdreg.scid;
	s4 =	stileid.u32  }
0xa: {  	s17 =	simm.s32 $0x400;
	s18 =	simm.s32 $0x600;
	s19 =	simm.s32 $0x80  }
0xb: {  	s20 =	simm.s32 $0x680;
	s21 =	simm.s32 $0x4680;
	s22 =	simm.s32 $0x8680  }
0xc: {  	s23 =	simm.s32 $0x2;
	s24 =	simm.s32 $0x1;
	s25 =	simm.s32 $0x0  }
0xd: {  	[smem:$0x7FF] =	sst s5;
	s8 =	sand.u32 $0x1, s6;
	s6 =	sadd.s32 $0x1200, s9  }
0xe: {  	s13 =	sshll.u32 s4, $0xA;
	s7 =	sadd.s32 $0x5200, s9;
	_ =	strace $0x80000047  }
0xf: {  	s14 =	sshll.u32 s8, $0x9;
	s15 =	ssub.s32 $0x2, s8;
	s8 =	sadd.s32 $0x1000, s9  }
0x10: {  	s9 =	sadd.s32 $0x9200, s9;
	s13 =	sor.u32 s14, s13;
	s31 =	sshrl.u32 s15, $0x1  }
0x11: {  	s16 =	sshrl.u32 s13, $0x3;
	s14 =	ssub.s32 s15, s31;
	s13 =	sshll.u32 s13, $0x4  }
0x12: {  	s15 =	simm.s32 $0x3;
	s10 =	sadd.s32 s10, s16;
	s11 =	sadd.s32 s11, s16  }
0x13: {  	s12 =	sadd.s32 s12, s16;
	s14 =	smax.u32 s14, $0x1;
	s16 =	simm.s32 $0x200  }
.LBB2_1:
0x14: {  	[tilespmem:s5], [sflag:$0x3] =	stream.linear.gather [hbm4b:s10+s5], $0x200, $0x38;
	[tilespmem:$0xC680] =	vst v63  }
0x15: {  	_ =	swait.ge [sflag:s15], $0x200  }
0x16: {  	[sflag:s15] =	ssyncset.done $0x0  }
0x17: {  	[sflag:s15] =	ssyncadd.s32 $0xFFFFFE00  }
0x18: {  	[tilespmem:s16], [sflag:$0x3] =	stream.linear.gather [hbm4b:s11+s5], $0x200, $0x38;
	[tilespmem:$0xC680] =	vst v63  }
0x19: {  	_ =	swait.ge [sflag:s15], $0x200  }
0x1a: {  	[sflag:s15] =	ssyncset.done $0x0  }
0x1b: {  	[sflag:s15] =	ssyncadd.s32 $0xFFFFFE00  }
0x1c: {  	[tilespmem:s17], [sflag:$0x3] =	stream.linear.gather [hbm4b:s12+s5], $0x200, $0x38;
	[tilespmem:$0xC680] =	vst v63  }
0x1d: {  	_ =	swait.ge [sflag:s15], $0x200  }
0x1e: {  	[sflag:s15] =	ssyncset.done $0x0  }
0x1f: {  	[sflag:s15] =	ssyncadd.s32 $0xFFFFFE00  }
0x20: {  	[tilespmem:s18], [sflag:$0x3] =	stream.linear.gather [hbm4b:s8+s5], $0x80, $0x38;
	[tilespmem:$0xC680] =	vst v63  }
0x21: {  	_ =	swait.ge [sflag:s15], $0x80  }
0x22: {  	[sflag:s15] =	ssyncset.done $0x0  }
0x23: {  	[sflag:s15] =	ssyncadd.s32 $0xFFFFFF80  }
0x24: {  	v0 =	vld [tilespmem:$0x600];
	_ =	sdelay $0x4  }
0x25: {  	v0 =	vmul.f32 $1.442695020e+00, v0;
	_ =	sdelay $0x1  }
0x26: {  	(erf) = vpow2.f32 v0;
	_ =	sdelay $0x8  }
0x27: {  	v0 =	vpop (erf)  }
0x28: {  	(v2sf) =	vpush v0, $0x0  }
0x29: {  	(v2sf) =	vpush v0, $0x1;
	_ =	sdelay $0xd  }
0x2a: {  	s26 =	spop (v2sf)  }
0x2b: {  	s28 =	spop (v2sf)  }
0x2c: {  	s26 =	sadd.f32 s28, s26;
	_ =	sdelay $0x1  }
0x2d: {  	v1 =	vmov s26  }
0x2e: {  	v1 =	vadd.f32 $0.0e+00, v1;
	_ =	sdelay $0x1  }
0x2f: {  	v1 =	vbroadcast v1, $0x0;
	_ =	sdelay $0x1  }
0x30: {  	(erf) = vrcp.f32 v1;
	_ =	sdelay $0x5  }
0x31: {  	v0 =	vadd.f32 $0.0e+00, v0;
	_ =	sdelay $0x1  }
0x32: {  	v2 =	vbroadcast v0, $0x1;
	v1 =	vbroadcast v0, $0x0  }
0x33: {  	v3 =	vpop (erf)  }
0x34: {  	v0 =	vmul.f32 v3, v1;
	v1 =	vmul.f32 v3, v2  }
0x35: {  	s26 =	simm.s32 $0x0  }
.LBB2_2:
0x36: {  	s28 =	sshll.u32 s26, $0x7  }
0x37: {  	[tilespmem:s20], [sflag:$0x1] =	stream.indirect.gather [hbm4b:s1+s19], $0x80, s28, s19, $0xb8;
	[tilespmem:$0xC680] =	vst v63  }
0x38: {  	_ = 	snop  }
0x39: {  	[tilespmem:s21], [sflag:$0x1] =	stream.indirect.gather [hbm4b:s2+s19], $0x80, s28, s19, $0xb8;
	[tilespmem:$0xC680] =	vst v63  }
0x3a: {  	s29 =	sadd.s32 $0x200, s28  }
0x3b: {  	[tilespmem:s22], [sflag:$0x2] =	stream.indirect.gather [hbm4b:s6+s19], $0x80, s29, s19, $0xb8;
	[tilespmem:$0xC680] =	vst v63  }
0x3c: {  	_ =	swait.ge [sflag:s23], $0x4000  }
0x3d: {  	[sflag:s23] =	ssyncset.done $0x0  }
0x3e: {  	s28 =	sadd.s32 $0x400, s28;
	[sflag:s23] =	ssyncadd.s32 $0xFFFFC000  }
0x3f: {  	[tilespmem:s22], [sflag:$0x2] =	stream.indirect.gather.add.f32 [hbm:s7], $0x80, s28, s19, $0xb8;
	[tilespmem:$0xC680] =	vst v63  }
0x40: {  	_ =	swait.ge [sflag:s24], $0x4000  }
0x41: {  	[sflag:s24] =	ssyncset.done $0x0  }
0x42: {  	[sflag:s24] =	ssyncadd.s32 $0xFFFFC000  }
0x43: {  	_ =	swait.ge [sflag:s24], $0x4000  }
0x44: {  	[sflag:s24] =	ssyncset.done $0x0  }
0x45: {  	s28 =	simm.s32 $0x0;
	[sflag:s24] =	ssyncadd.s32 $0xFFFFC000  }
0x46: {  	v8 =	vld [tilespmem:s28+$0x4680]  }
0x47: {  	v14 =	vld [tilespmem:s28+$0x4690]  }
0x48: {  	v7 =	vld [tilespmem:s28+$0x46A0]  }
0x49: {  	v6 =	vld [tilespmem:s28+$0x46B0]  }
0x4a: {  	v5 =	vld [tilespmem:s28+$0x46C0]  }
0x4b: {  	v4 =	vld [tilespmem:s28+$0x46D0]  }
0x4c: {  	v3 =	vld [tilespmem:s28+$0x46E0]  }
0x4d: {  	v2 =	vld [tilespmem:s28+$0x46F0]  }
0x4e: {  	v9 =	vld [tilespmem:s28+$0x680]  }
0x4f: {  	v13 =	vld [tilespmem:s28+$0x690]  }
0x50: {  	v12 =	vld [tilespmem:s28+$0x6A0]  }
0x51: {  	v11 =	vld [tilespmem:s28+$0x6B0]  }
0x52: {  	v10 =	vld [tilespmem:s28+$0x6C0]  }
0x53: {  	v15 =	vmul.f32 v9, v0;
	v16 =	vmul.f32 v8, v1;
	v9 =	vld [tilespmem:s28+$0x6D0]  }
0x54: {  	s29 =	simm.s32 $0x200;
	v13 =	vmul.f32 v13, v0;
	v14 =	vmul.f32 v14, v1;
	v8 =	vld [tilespmem:s28+$0x6E0]  }
.LBB2_3:
0x55: {  	s30 =	sshra.s32 s29, $0x2;
	p0 =	sne.s32 s29, $0xFE00;
	v15 =	vadd.f32 v16, v15;
	v12 =	vmul.f32 v12, v0;
	v7 =	vmul.f32 v7, v1;
	v16 =	vld [tilespmem:s28+$0x6F0]  }
0x56: {  	v6 =	vmul.f32 v6, v1;
	v17 =	vld [tilespmem:s30+$0x4680];
	v13 =	vadd.f32 v14, v13;
	v11 =	vmul.f32 v11, v0  }
0x57: {  	v5 =	vmul.f32 v5, v1;
	v14 =	vld [tilespmem:s30+$0x4690];
	[tilespmem:s28+$0x680] =	vst v15;
	v12 =	vadd.f32 v7, v12;
	v10 =	vmul.f32 v10, v0  }
0x58: {  	v4 =	vmul.f32 v4, v1;
	v7 =	vld [tilespmem:s30+$0x46A0];
	[tilespmem:s28+$0x690] =	vst v13;
	v11 =	vadd.f32 v6, v11;
	v9 =	vmul.f32 v9, v0  }
0x59: {  	v3 =	vmul.f32 v3, v1;
	v6 =	vld [tilespmem:s30+$0x46B0];
	[tilespmem:s28+$0x6A0] =	vst v12;
	v10 =	vadd.f32 v5, v10;
	v8 =	vmul.f32 v8, v0  }
0x5a: {  	v2 =	vmul.f32 v2, v1;
	v5 =	vld [tilespmem:s30+$0x46C0];
	[tilespmem:s28+$0x6B0] =	vst v11;
	v9 =	vadd.f32 v4, v9;
	v11 =	vmul.f32 v16, v0  }
0x5b: {  	v4 =	vld [tilespmem:s30+$0x46D0];
	[tilespmem:s28+$0x6C0] =	vst v10;
	v8 =	vadd.f32 v3, v8  }
0x5c: {  	v3 =	vld [tilespmem:s30+$0x46E0];
	[tilespmem:s28+$0x6D0] =	vst v9;
	v9 =	vadd.f32 v2, v11  }
0x5d: {  	v2 =	vld [tilespmem:s30+$0x46F0];
	[tilespmem:s28+$0x6E0] =	vst v8  }
0x5e: {  	v8 =	vld [tilespmem:s30+$0x680];
	[tilespmem:s28+$0x6F0] =	vst v9;
	s28 =	smov.u32 s30  }
0x5f: {  	v13 =	vld [tilespmem:s28+$0x690]  }
.Ltmp0:
0x60: {  	v12 =	vld [tilespmem:s28+$0x6A0];
	(pc) =	sbr.rel @p0 .LBB2_3-.Ltmp0, $4  }
0x61: {  	v11 =	vld [tilespmem:s28+$0x6B0]  }
0x62: {  	v10 =	vld [tilespmem:s28+$0x6C0]  }
0x63: {  	v16 =	vmul.f32 v17, v1;
	v15 =	vmul.f32 v8, v0;
	v9 =	vld [tilespmem:s28+$0x6D0]  }
0x64: {  	s29 =	sadd.s32 $0x200, s29;
	v14 =	vmul.f32 v14, v1;
	v13 =	vmul.f32 v13, v0;
	v8 =	vld [tilespmem:s28+$0x6E0]  }
0x65: {  	v15 =	vadd.f32 v16, v15;
	v12 =	vmul.f32 v12, v0;
	v7 =	vmul.f32 v7, v1;
	v61 =	vld [tilespmem:s28+$0x6F0]  }
0x66: {  	v6 =	vmul.f32 v6, v1;
	v13 =	vadd.f32 v14, v13;
	v11 =	vmul.f32 v11, v0  }
0x67: {  	v5 =	vmul.f32 v5, v1;
	[tilespmem:s28+$0x680] =	vst v15;
	v7 =	vadd.f32 v7, v12;
	v10 =	vmul.f32 v10, v0  }
0x68: {  	v4 =	vmul.f32 v4, v1;
	[tilespmem:s28+$0x690] =	vst v13;
	v6 =	vadd.f32 v6, v11;
	v9 =	vmul.f32 v9, v0  }
0x69: {  	v3 =	vmul.f32 v3, v1;
	[tilespmem:s28+$0x6A0] =	vst v7;
	v5 =	vadd.f32 v5, v10;
	v62 =	vmul.f32 v8, v0  }
0x6a: {  	v2 =	vmul.f32 v2, v1;
	[tilespmem:s28+$0x6B0] =	vst v6;
	v4 =	vadd.f32 v4, v9;
	v63 =	vmul.f32 v61, v0  }
0x6b: {  	[tilespmem:s28+$0x6C0] =	vst v5;
	v3 =	vadd.f32 v3, v62  }
0x6c: {  	[tilespmem:s28+$0x6D0] =	vst v4;
	v2 =	vadd.f32 v2, v63  }
0x6d: {  	[tilespmem:s28+$0x6E0] =	vst v3  }
0x6e: {  	[tilespmem:s28+$0x6F0] =	vst v2  }
0x6f: {  	s31 =	sshll.u32 s26, $0xB;
	_ =	swait.ge [sflag:s23], $0x4000  }
0x70: {  	s28 =	sadd.s32 s13, s31;
	[sflag:s23] =	ssyncset.done $0x0  }
0x71: {  	s29 =	sadd.s32 s3, s28;
	[sflag:s23] =	ssyncadd.s32 $0xFFFFC000  }
0x72: {  	[hbm4b:s29+s5] =	stream.linear.scatter [tilespmem:s20], [sflag:$0x1], $0x4000, $0x38;
	[tilespmem:$0xC680] =	vst v63  }
0x73: {  	s26 =	sadd.s32 $0x1, s26;
	s28 =	sadd.s32 s9, s28  }
0x74: {  	[hbm4b:s28+s5] =	stream.linear.scatter [tilespmem:s22], [sflag:$0x1], $0x4000, $0x38;
	[tilespmem:$0xC680] =	vst v63  }
0x75: {  	p0 =	sne.s32 s26, $0x4;
	_ =	swait.ge [sflag:s24], $0x4000  }
.Ltmp1:
0x76: {  	[sflag:s24] =	ssyncset.done $0x0;
	(pc) =	sbr.rel @p0 .LBB2_2-.Ltmp1, $4  }
0x77: {  	[sflag:s24] =	ssyncadd.s32 $0xFFFFC000  }
0x78: {  	_ =	swait.ge [sflag:s24], $0x4000  }
0x79: {  	[sflag:s24] =	ssyncset.done $0x0  }
0x7a: {  	[sflag:s24] =	ssyncadd.s32 $0xFFFFC000  }
0x7b: {  	s25 =	sadd.s32 $0x1, s25  }
0x7c: {  	p0 =	sne.s32 s25, s14  }
.Ltmp2:
0x7d: {  	_ = 	snop;
	(pc) =	sbr.rel @p0 .LBB2_1-.Ltmp2, $1  }
0x7e: {  	_ =	sdelay $0x3  }
0x7f: {  	_ =	sfence.sel $0x180000  }
0x80: {  	[bflag:$0x0] =	sbarrier.arrive $0xFFFF  }
0x81: {  	p0 =	sne.s32 s4, $0x0;
	_ =	strace $0x90000047  }
0x82: {  	s0 =	sadd.s32 @!p0 $0x100000, s0;
	[bflag:$0x2] =	sbarrier.arrive $0xFFFF  }
0x83: {  	[sflag:s0] =	ssyncadd.tile.s32 @!p0 $0x1;
	_ =	shalt  }
.Lfunc_end2:
_tile_overlayer_lowered:
.L_overlay_start_2:
0x84: {  	(tag) =	ssettag $0x2  }
0x85: {  	s0 =	rddreg [dreg:$0x0];
	s2 =	stileid.u32  }
0x86: {  	s1 =	rddreg [dreg:$0x1];
	p0 =	sne.s32 s2, $0x0  }
0x87: {  	s3 =	rddreg [dreg:$0x2];
	[bflag:$0x3] =	sbarrier.arrive $0xFFFF;
	s2 =	simm.s32 @!p0 $0x1C03  }
0x88: {  	[timem:s3], [sflag:s2] =	dma.local @!p0 [hbm:s0], s1  }
0x89: {  	s0 =	simm.s32 @!p0 $0x3  }
0x8a: {  	_ =	swait.ge @!p0 [sflag:s0], s1  }
0x8b: {  	s1 =	ssub.s32 @!p0 $0x0, s1;
	[sflag:s0] =	ssyncset.done @!p0 $0x0  }
0x8c: {  	[sflag:s0] =	ssyncadd.s32 @!p0 s1  }
0x8d: {  	[bflag:$0x3] =	sbarrier.arrive $0xFFFF  }
0x8e: {  	_ =	shalt  }

</sc_bundles>
